<compile_context>
chip_gen: v7x
topology: tpu7x:2x2x1
jax: 0.10.2.dev20260603
libtpu: 0.0.44.dev20260713+nightly
codegen_flags: <defaults>
</compile_context>

<pallas_src>
import functools

import jax
import jax.numpy as jnp
from jax import lax
from jax.experimental import pallas as pl
from jax.experimental.pallas import tpu as pltpu
from jax.experimental.pallas import tpu_sc as plsc

K_GROUP = 32
EMBED = 384
BN_EPS = 1e-5
G = 256

_SC_NC = 2
_SC_NS = 16
_SC_NW = _SC_NC * _SC_NS


_FPS_S = 8


def _fps_body(x_ref, y_ref, z_ref, cx_ref, cy_ref, cz_ref):
    R, L = x_ref.shape
    B = R // _FPS_S
    N = _FPS_S * L
    x = x_ref[...]
    y = y_ref[...]
    z = z_ref[...]
    iota_n = (lax.broadcasted_iota(jnp.int32, (R, L), 0) % _FPS_S) * L + \
        lax.broadcasted_iota(jnp.int32, (R, L), 1)
    iota_g = lax.broadcasted_iota(jnp.int32, (B, G), 1)

    def bmax(a):
        return jnp.max(a.reshape(B, _FPS_S, L), axis=(1, 2), keepdims=True)

    def bmin(a):
        return jnp.min(a.reshape(B, _FPS_S, L), axis=(1, 2), keepdims=True)

    def bsum(a):
        return jnp.sum(a.reshape(B, _FPS_S, L), axis=(1, 2), keepdims=True)

    def expand(a):
        return jnp.broadcast_to(a, (B, _FPS_S, L)).reshape(R, L)

    def body(i, state):
        distance, far, cxa, cya, cza = state
        sel = iota_n == far
        cx = bsum(jnp.where(sel, x, 0.0))
        cy = bsum(jnp.where(sel, y, 0.0))
        cz = bsum(jnp.where(sel, z, 0.0))
        col = iota_g == i
        cxa = cxa + jnp.where(col, cx[:, :, 0], 0.0)
        cya = cya + jnp.where(col, cy[:, :, 0], 0.0)
        cza = cza + jnp.where(col, cz[:, :, 0], 0.0)
        dx = x - expand(cx)
        dy = y - expand(cy)
        dz = z - expand(cz)
        dist = (dx * dx + dy * dy) + dz * dz
        distance = jnp.minimum(distance, dist)
        m = expand(bmax(distance))
        far = expand(bmin(jnp.where(distance >= m, iota_n, N)))
        return (distance, far, cxa, cya, cza)

    init = (
        jnp.full((R, L), 1e10, dtype=jnp.float32),
        jnp.zeros((R, L), dtype=jnp.int32),
        jnp.zeros((B, G), dtype=jnp.float32),
        jnp.zeros((B, G), dtype=jnp.float32),
        jnp.zeros((B, G), dtype=jnp.float32),
    )
    _, _, cxa, cya, cza = lax.fori_loop(0, G, body, init)
    cx_ref[...] = cxa
    cy_ref[...] = cya
    cz_ref[...] = cza


def _fps_centers(xyz):
    B, N, _ = xyz.shape
    L = N // _FPS_S
    x = xyz[:, :, 0].reshape(B * _FPS_S, L)
    y = xyz[:, :, 1].reshape(B * _FPS_S, L)
    z = xyz[:, :, 2].reshape(B * _FPS_S, L)
    cx, cy, cz = pl.pallas_call(
        _fps_body,
        out_shape=[jax.ShapeDtypeStruct((B, G), jnp.float32)] * 3,
    )(x, y, z)
    return jnp.stack([cx, cy, cz], axis=-1)


def _knn_body(c_ref, xt_ref, idx_ref):
    b = pl.program_id(0)
    C = c_ref[0]
    XT = xt_ref[0]
    N = XT.shape[1]
    sq_c = jnp.sum(C * C, axis=1, keepdims=True)
    sq_x = jnp.sum(XT * XT, axis=0, keepdims=True)
    inner = jnp.dot(C, XT, preferred_element_type=jnp.float32)
    D = sq_c - 2.0 * inner + sq_x
    iota_n = lax.broadcasted_iota(jnp.int32, (G, N), 1)
    iota_k = lax.broadcasted_iota(jnp.int32, (G, K_GROUP), 1)

    def body(k, state):
        D, acc = state
        m = jnp.min(D, axis=1, keepdims=True)
        hit = D <= m
        sel = jnp.min(jnp.where(hit, iota_n, N), axis=1, keepdims=True)
        acc = acc + jnp.where(iota_k == k, sel + b * N, 0)
        D = jnp.where(hit, jnp.float32(jnp.inf), D)
        return (D, acc)

    _, acc = lax.fori_loop(0, K_GROUP, body,
                           (D, jnp.zeros((G, K_GROUP), jnp.int32)))
    idx_ref[...] = acc


def _knn_indices(centers_pad, xyz_pad_t):
    B = centers_pad.shape[0]
    N = xyz_pad_t.shape[2]
    idx = pl.pallas_call(
        _knn_body,
        grid=(B,),
        in_specs=[
            pl.BlockSpec((1, G, 8), lambda b: (b, 0, 0)),
            pl.BlockSpec((1, 8, N), lambda b: (b, 0, 0)),
        ],
        out_specs=pl.BlockSpec((G, K_GROUP), lambda b: (b, 0)),
        out_shape=jax.ShapeDtypeStruct((B * G, K_GROUP), jnp.int32),
    )(centers_pad, xyz_pad_t)
    return idx.reshape(-1)


def _f1_body(xp_ref, w1_ref, b1_ref, out_ref):
    f1 = jnp.dot(xp_ref[...], w1_ref[...], preferred_element_type=jnp.float32)
    out_ref[...] = jnp.maximum(f1 + b1_ref[...], 0.0)


def _f1_table(xyz_pad, w1e, b1e):
    rows = xyz_pad.shape[0]
    return pl.pallas_call(
        _f1_body,
        out_shape=jax.ShapeDtypeStruct((rows, 128), jnp.float32),
    )(xyz_pad, w1e, b1e)


def _sc_gather(table, idx_flat):
    total = idx_flat.shape[0]
    per_w = total // _SC_NW
    chunk = 512
    n_chunks = per_w // chunk
    D = table.shape[1]
    mesh = plsc.VectorSubcoreMesh(core_axis_name="c", subcore_axis_name="s")

    @functools.partial(
        pl.kernel,
        out_type=jax.ShapeDtypeStruct((total, D), jnp.float32),
        mesh=mesh,
        scratch_types=[
            pltpu.VMEM((chunk,), jnp.int32),
            pltpu.VMEM((chunk, D), jnp.float32),
            pltpu.SemaphoreType.DMA,
        ],
    )
    def gather_kernel(table_hbm, idx_hbm, out_hbm, idx_v, rows_v, sem):
        wid = lax.axis_index("s") * _SC_NC + lax.axis_index("c")
        base = wid * per_w
        for c in range(n_chunks):
            pltpu.sync_copy(idx_hbm.at[pl.ds(base + c * chunk, chunk)], idx_v)
            pltpu.async_copy(table_hbm.at[idx_v], rows_v, sem).wait()
            pltpu.sync_copy(rows_v, out_hbm.at[pl.ds(base + c * chunk, chunk)])

    return gather_kernel(table, idx_flat)


def _encoder_body(ng_ref, w2_ref, b2_ref, w3t_ref, w3b_ref,
                  b3_ref, w4_ref, b4_ref, out_ref):
    rows = ng_ref.shape[0]
    groups = rows // K_GROUP
    f1 = ng_ref[...]
    f2 = jnp.dot(f1, w2_ref[...], preferred_element_type=jnp.float32)
    f2 = f2 + b2_ref[...]
    fg = jnp.max(f2.reshape(groups, K_GROUP, 256), axis=1)
    g3 = jnp.dot(fg, w3t_ref[...], preferred_element_type=jnp.float32)
    g3 = jnp.broadcast_to(g3[:, None, :], (groups, K_GROUP, 512)).reshape(rows, 512)
    f3 = jnp.dot(f2, w3b_ref[...], preferred_element_type=jnp.float32)
    f3 = jnp.maximum(f3 + g3 + b3_ref[...], 0.0)
    f4 = jnp.dot(f3, w4_ref[...], preferred_element_type=jnp.float32)
    f4 = f4 + b4_ref[...]
    out_ref[...] = jnp.max(f4.reshape(groups, K_GROUP, EMBED), axis=1)


def _encoder(ng, w2t, b2, w3top, w3bot, b3e, w4t, b4):
    rows = ng.shape[0]
    blk_rows = 4096
    blk_groups = blk_rows // K_GROUP
    n_blocks = rows // blk_rows
    full = lambda r, c: pl.BlockSpec((r, c), lambda i: (0, 0))
    feats = pl.pallas_call(
        _encoder_body,
        grid=(n_blocks,),
        in_specs=[
            pl.BlockSpec((blk_rows, 128), lambda i: (i, 0)),
            full(128, 256), full(1, 256),
            full(256, 512), full(256, 512), full(1, 512),
            full(512, EMBED), full(1, EMBED),
        ],
        out_specs=pl.BlockSpec((blk_groups, EMBED), lambda i: (i, 0)),
        out_shape=jax.ShapeDtypeStruct((rows // K_GROUP, EMBED), jnp.float32),
    )(ng, w2t, b2, w3top, w3bot, b3e, w4t, b4)
    return feats


def kernel(xyz, n_group, W1, b1, bn1_g, bn1_b, W2, b2, W3, b3, bn2_g, bn2_b,
           W4, b4):
    if isinstance(n_group, list):
        n_group = n_group[-1]
    B, N, _ = xyz.shape
    xyz = xyz.astype(jnp.float32)

    center = _fps_centers(xyz)

    s1 = bn1_g / jnp.sqrt(1.0 + BN_EPS)
    w1e = jnp.pad((W1 * s1[:, None]).T, ((0, 13), (0, 0)))
    b1e = (b1 * s1 + bn1_b)[None, :]
    xyz_pad = jnp.pad(xyz.reshape(B * N, 3), ((0, 0), (0, 13)))
    table = _f1_table(xyz_pad, w1e, b1e)

    centers_pad = jnp.pad(center, ((0, 0), (0, 0), (0, 5)))
    centers_pad = centers_pad + table[0, 0] * 0
    xyz_pad_t = jnp.pad(
        jnp.swapaxes(xyz, 1, 2), ((0, 0), (0, 5), (0, 0)))
    idx_flat = _knn_indices(centers_pad, xyz_pad_t)

    ng = _sc_gather(table, idx_flat)

    s2 = bn2_g / jnp.sqrt(1.0 + BN_EPS)
    w3e = (W3 * s2[:, None]).T
    b3e = (b3 * s2 + bn2_b)[None, :]
    feats = _encoder(ng, W2.T, b2[None, :], w3e[:256], w3e[256:],
                     b3e, W4.T, b4[None, :])
    features = feats.reshape(B, G, EMBED)

    center = center + (jnp.asarray(n_group) * 0).astype(center.dtype)
    return (center, features)

# --- scband reference (transcript-rebuilt; emitter-appended) ---
"""Pipeline reference for scband-simple-encoder-14293651161200 (READ-ONLY COPY).

The authoritative reference and input builder live on the scoring server;
editing this copy changes nothing except your own understanding.
"""

import jax, jax.numpy as jnp
import numpy as np

K_GROUP = 32
EMBED = 384
BN_EPS = 1e-5


def fps_indices(xyz, n_group):
    # farthest point sampling, deterministic start at index 0 (misc.fps / pointnet2 furthest_point_sample)
    xyz = jax.lax.stop_gradient(xyz)
    B, N, _ = xyz.shape
    centroids0 = jnp.zeros((B, n_group), dtype=jnp.int32)
    distance0 = jnp.full((B, N), 1e10, dtype=xyz.dtype)
    farthest0 = jnp.zeros((B,), dtype=jnp.int32)

    def body(i, state):
        centroids, distance, farthest = state
        centroids = centroids.at[:, i].set(farthest)
        centroid = jnp.take_along_axis(xyz, farthest[:, None, None], axis=1)  # B,1,3
        dist = jnp.sum((xyz - centroid) ** 2, axis=-1)  # B,N
        distance = jnp.minimum(distance, dist)
        farthest = jnp.argmax(distance, axis=-1).astype(jnp.int32)
        return (centroids, distance, farthest)

    centroids, _, _ = jax.lax.fori_loop(0, n_group, body, (centroids0, distance0, farthest0))
    return centroids


def knn_point(k, xyz, new_xyz):
    # square_distance(new_xyz, xyz) then topk smallest
    sq_x = jnp.sum(xyz ** 2, axis=-1)      # B,N
    sq_c = jnp.sum(new_xyz ** 2, axis=-1)  # B,G
    inner = jnp.einsum('bgd,bnd->bgn', new_xyz, xyz)
    sqrdists = sq_c[:, :, None] - 2.0 * inner + sq_x[:, None, :]
    _, idx = jax.lax.top_k(-sqrdists, k)
    return idx  # B,G,k


def bn_eval(x, gamma, beta):
    # eval-mode BatchNorm1d with running_mean=0, running_var=1
    return (x / jnp.sqrt(1.0 + BN_EPS)) * gamma + beta


def encoder_apply(ng, W1, b1, g1, bt1, W2, b2, W3, b3, g2, bt2, W4, b4):
    # ng: B,G,n,3  -> per-group PointNet feature, channels-last (Conv1d k=1 == matmul)
    bs, g, n, _ = ng.shape
    pg = ng.reshape(bs * g, n, 3)
    f = pg @ W1.T + b1                          # BG,n,128
    f = jax.nn.relu(bn_eval(f, g1, bt1))
    f = f @ W2.T + b2                           # BG,n,256
    fg = jnp.max(f, axis=1, keepdims=True)      # BG,1,256
    f = jnp.concatenate([jnp.broadcast_to(fg, (bs * g, n, 256)), f], axis=-1)  # BG,n,512
    f = f @ W3.T + b3                           # BG,n,512
    f = jax.nn.relu(bn_eval(f, g2, bt2))
    f = f @ W4.T + b4                           # BG,n,EMBED
    fg = jnp.max(f, axis=1)                     # BG,EMBED
    return fg.reshape(bs, g, EMBED)


def setup_inputs(seed: int = 0) -> dict:
    key = jax.random.key(seed)
    ks = jax.random.split(key, 8)
    B, N = 4, 4096
    xyz = jax.random.normal(ks[0], (B, N, 3), dtype=jnp.float32)
    W1 = jax.random.normal(ks[1], (128, 3), dtype=jnp.float32) * 0.1
    b1 = jnp.zeros((128,), dtype=jnp.float32)
    bn1_g = jnp.ones((128,), dtype=jnp.float32)
    bn1_b = jnp.zeros((128,), dtype=jnp.float32)
    W2 = jax.random.normal(ks[2], (256, 128), dtype=jnp.float32) * 0.05
    b2 = jnp.zeros((256,), dtype=jnp.float32)
    W3 = jax.random.normal(ks[3], (512, 512), dtype=jnp.float32) * 0.03
    b3 = jnp.zeros((512,), dtype=jnp.float32)
    bn2_g = jnp.ones((512,), dtype=jnp.float32)
    bn2_b = jnp.zeros((512,), dtype=jnp.float32)
    W4 = jax.random.normal(ks[4], (EMBED, 512), dtype=jnp.float32) * 0.03
    b4 = jnp.zeros((EMBED,), dtype=jnp.float32)
    return {"xyz": xyz, "n_group": 256, "W1": W1, "b1": b1, "bn1_g": bn1_g, "bn1_b": bn1_b,
            "W2": W2, "b2": b2, "W3": W3, "b3": b3, "bn2_g": bn2_g, "bn2_b": bn2_b,
            "W4": W4, "b4": b4}


def reference(xyz, n_group, W1, b1, bn1_g, bn1_b, W2, b2, W3, b3, bn2_g, bn2_b, W4, b4):
    if isinstance(n_group, list):
        n_group = n_group[-1]
    G = 256
    B, N, _ = xyz.shape
    idx_c = fps_indices(xyz, G)                                       # B,G
    center = jnp.take_along_axis(xyz, idx_c[:, :, None], axis=1)      # B,G,3
    idx = knn_point(K_GROUP, xyz, center)                             # B,G,k
    idx_base = jnp.arange(B, dtype=idx.dtype)[:, None, None] * N
    idx_flat = (idx + idx_base).reshape(-1)
    neighborhood = xyz.reshape(B * N, 3)[idx_flat, :].reshape(B, G, K_GROUP, 3)
    features = encoder_apply(neighborhood, W1, b1, bn1_g, bn1_b, W2, b2, W3, b3, bn2_g, bn2_b, W4, b4)
    center = center + (jnp.asarray(n_group) * 0).astype(center.dtype)
    return (center, features)

if __name__ == "__main__":
    import jax
    _d = setup_inputs()
    print(jax.jit(kernel)(*tuple(_d.values())))

</pallas_src>

<mosaic_0001>
#map = affine_map<(d0, d1) -> (0, 0)>
#map1 = affine_map<(d0, d1) -> (0)>
module attributes {stable_mosaic.version = 14 : i64} {
  func.func @gather_kernel(%arg0: i32, %arg1: i32, %arg2: memref<16384x128xf32, #tpu.memory_space<hbm>>, %arg3: memref<32768xi32, #tpu.memory_space<hbm>>, %arg4: memref<32768x128xf32, #tpu.memory_space<hbm>>, %arg5: memref<512xi32, #tpu.memory_space<vmem>>, %arg6: memref<512x128xf32, #tpu.memory_space<vmem>>, %arg7: memref<!tpu.dma_semaphore, #tpu.memory_space<semaphore_mem>>) attributes {dimension_semantics = [#tpu.dimension_semantics<core_parallel>, #tpu.dimension_semantics<subcore_parallel>], iteration_bounds = array<i64: 2, 16>, scalar_prefetch = 0 : i64, scratch_operands = 3 : i64, tpu.core_type = #tpu.core_type<sc_vector_subcore>, window_params = [{transform_indices = #map}, {transform_indices = #map1}, {transform_indices = #map}]} {
    %mul3A = arith.constant 2 : i32
    %mul3A_0 = arith.muli %arg1, %mul3A : i32
    %add3A = arith.addi %mul3A_0, %arg0 : i32
    %mul3A_1 = arith.constant 1024 : i32
    %mul3A_2 = arith.muli %add3A, %mul3A_1 : i32
    %add3A_3 = arith.constant 0 : i32
    %add3A_4 = arith.addi %mul3A_2, %add3A_3 : i32
    "tpu.region"() ({
      %run_scoped3A = tpu.sem_alloc : memref<!tpu.dma_semaphore, #tpu.memory_space<semaphore_mem>>
      %dma_start3A_21 = tpu.memref_slice %arg3[%add3A_4] : memref<32768xi32, #tpu.memory_space<hbm>> -> memref<512xi32, #tpu.memory_space<hbm>>
      %dma_start3A_22 = tpu.memref_slice %arg3[%add3A_4] : memref<32768xi32, #tpu.memory_space<hbm>> -> memref<512xi32, #tpu.memory_space<hbm>>
      tpu.enqueue_dma source(%dma_start3A_22 : memref<512xi32, #tpu.memory_space<hbm>>) target(%arg5 : memref<512xi32, #tpu.memory_space<vmem>>) target_semaphore(%run_scoped3A : memref<!tpu.dma_semaphore, #tpu.memory_space<semaphore_mem>>)
      %dma_wait3A_23 = tpu.memref_slice %arg3[%add3A_4] : memref<32768xi32, #tpu.memory_space<hbm>> -> memref<512xi32, #tpu.memory_space<hbm>>
      %dma_wait3A_24 = tpu.memref_slice %arg3[%add3A_4] : memref<32768xi32, #tpu.memory_space<hbm>> -> memref<512xi32, #tpu.memory_space<hbm>>
      tpu.wait_dma2 semaphore(%run_scoped3A : memref<!tpu.dma_semaphore, #tpu.memory_space<semaphore_mem>>) src(%dma_wait3A_24 : memref<512xi32, #tpu.memory_space<hbm>>) dst(%arg5 : memref<512xi32, #tpu.memory_space<vmem>>)
      tpu.yield
    }) : () -> ()
    %dma_start3A = arith.constant 0 : i32
    %dma_start3A_5 = arith.constant 0 : i32
    %dma_start3A_6 = tpu.memref_slice %arg2[%dma_start3A, %dma_start3A_5] : memref<16384x128xf32, #tpu.memory_space<hbm>> -> memref<16384x128xf32, #tpu.memory_space<hbm>>
    tpu.enqueue_indirect_dma source(%dma_start3A_6 : memref<16384x128xf32, #tpu.memory_space<hbm>>) target(%arg6 : memref<512x128xf32, #tpu.memory_space<vmem>>) offsets(%arg5 : memref<512xi32, #tpu.memory_space<vmem>>) semaphore(%arg7 : memref<!tpu.dma_semaphore, #tpu.memory_space<semaphore_mem>>)
    %dma_wait3A = arith.constant 0 : i32
    %dma_wait3A_7 = arith.constant 0 : i32
    %dma_wait3A_8 = tpu.memref_slice %arg2[%dma_wait3A, %dma_wait3A_7] : memref<16384x128xf32, #tpu.memory_space<hbm>> -> memref<16384x128xf32, #tpu.memory_space<hbm>>
    tpu.wait_indirect_dma semaphore(%arg7 : memref<!tpu.dma_semaphore, #tpu.memory_space<semaphore_mem>>) src(%dma_wait3A_8 : memref<16384x128xf32, #tpu.memory_space<hbm>>) dst(%arg6 : memref<512x128xf32, #tpu.memory_space<vmem>>)
    %add3A_9 = arith.constant 0 : i32
    %add3A_10 = arith.addi %mul3A_2, %add3A_9 : i32
    "tpu.region"() ({
      %run_scoped3A = tpu.sem_alloc : memref<!tpu.dma_semaphore, #tpu.memory_space<semaphore_mem>>
      %dma_start3A_21 = arith.constant 0 : i32
      %dma_start3A_22 = tpu.memref_slice %arg4[%add3A_10, %dma_start3A_21] : memref<32768x128xf32, #tpu.memory_space<hbm>> -> memref<512x128xf32, #tpu.memory_space<hbm>>
      %dma_start3A_23 = arith.constant 0 : i32
      %dma_start3A_24 = tpu.memref_slice %arg4[%add3A_10, %dma_start3A_23] : memref<32768x128xf32, #tpu.memory_space<hbm>> -> memref<512x128xf32, #tpu.memory_space<hbm>>
      tpu.enqueue_dma source(%arg6 : memref<512x128xf32, #tpu.memory_space<vmem>>) target(%dma_start3A_24 : memref<512x128xf32, #tpu.memory_space<hbm>>) target_semaphore(%run_scoped3A : memref<!tpu.dma_semaphore, #tpu.memory_space<semaphore_mem>>)
      %dma_wait3A_25 = arith.constant 0 : i32
      %dma_wait3A_26 = tpu.memref_slice %arg4[%add3A_10, %dma_wait3A_25] : memref<32768x128xf32, #tpu.memory_space<hbm>> -> memref<512x128xf32, #tpu.memory_space<hbm>>
      %dma_wait3A_27 = arith.constant 0 : i32
      %dma_wait3A_28 = tpu.memref_slice %arg4[%add3A_10, %dma_wait3A_27] : memref<32768x128xf32, #tpu.memory_space<hbm>> -> memref<512x128xf32, #tpu.memory_space<hbm>>
      tpu.wait_dma2 semaphore(%run_scoped3A : memref<!tpu.dma_semaphore, #tpu.memory_space<semaphore_mem>>) src(%arg6 : memref<512x128xf32, #tpu.memory_space<vmem>>) dst(%dma_wait3A_28 : memref<512x128xf32, #tpu.memory_space<hbm>>)
      tpu.yield
    }) : () -> ()
    %add3A_11 = arith.constant 512 : i32
    %add3A_12 = arith.addi %mul3A_2, %add3A_11 : i32
    "tpu.region"() ({
      %run_scoped3A = tpu.sem_alloc : memref<!tpu.dma_semaphore, #tpu.memory_space<semaphore_mem>>
      %dma_start3A_21 = tpu.memref_slice %arg3[%add3A_12] : memref<32768xi32, #tpu.memory_space<hbm>> -> memref<512xi32, #tpu.memory_space<hbm>>
      %dma_start3A_22 = tpu.memref_slice %arg3[%add3A_12] : memref<32768xi32, #tpu.memory_space<hbm>> -> memref<512xi32, #tpu.memory_space<hbm>>
      tpu.enqueue_dma source(%dma_start3A_22 : memref<512xi32, #tpu.memory_space<hbm>>) target(%arg5 : memref<512xi32, #tpu.memory_space<vmem>>) target_semaphore(%run_scoped3A : memref<!tpu.dma_semaphore, #tpu.memory_space<semaphore_mem>>)
      %dma_wait3A_23 = tpu.memref_slice %arg3[%add3A_12] : memref<32768xi32, #tpu.memory_space<hbm>> -> memref<512xi32, #tpu.memory_space<hbm>>
      %dma_wait3A_24 = tpu.memref_slice %arg3[%add3A_12] : memref<32768xi32, #tpu.memory_space<hbm>> -> memref<512xi32, #tpu.memory_space<hbm>>
      tpu.wait_dma2 semaphore(%run_scoped3A : memref<!tpu.dma_semaphore, #tpu.memory_space<semaphore_mem>>) src(%dma_wait3A_24 : memref<512xi32, #tpu.memory_space<hbm>>) dst(%arg5 : memref<512xi32, #tpu.memory_space<vmem>>)
      tpu.yield
    }) : () -> ()
    %dma_start3A_13 = arith.constant 0 : i32
    %dma_start3A_14 = arith.constant 0 : i32
    %dma_start3A_15 = tpu.memref_slice %arg2[%dma_start3A_13, %dma_start3A_14] : memref<16384x128xf32, #tpu.memory_space<hbm>> -> memref<16384x128xf32, #tpu.memory_space<hbm>>
    tpu.enqueue_indirect_dma source(%dma_start3A_15 : memref<16384x128xf32, #tpu.memory_space<hbm>>) target(%arg6 : memref<512x128xf32, #tpu.memory_space<vmem>>) offsets(%arg5 : memref<512xi32, #tpu.memory_space<vmem>>) semaphore(%arg7 : memref<!tpu.dma_semaphore, #tpu.memory_space<semaphore_mem>>)
    %dma_wait3A_16 = arith.constant 0 : i32
    %dma_wait3A_17 = arith.constant 0 : i32
    %dma_wait3A_18 = tpu.memref_slice %arg2[%dma_wait3A_16, %dma_wait3A_17] : memref<16384x128xf32, #tpu.memory_space<hbm>> -> memref<16384x128xf32, #tpu.memory_space<hbm>>
    tpu.wait_indirect_dma semaphore(%arg7 : memref<!tpu.dma_semaphore, #tpu.memory_space<semaphore_mem>>) src(%dma_wait3A_18 : memref<16384x128xf32, #tpu.memory_space<hbm>>) dst(%arg6 : memref<512x128xf32, #tpu.memory_space<vmem>>)
    %add3A_19 = arith.constant 512 : i32
    %add3A_20 = arith.addi %mul3A_2, %add3A_19 : i32
    "tpu.region"() ({
      %run_scoped3A = tpu.sem_alloc : memref<!tpu.dma_semaphore, #tpu.memory_space<semaphore_mem>>
      %dma_start3A_21 = arith.constant 0 : i32
      %dma_start3A_22 = tpu.memref_slice %arg4[%add3A_20, %dma_start3A_21] : memref<32768x128xf32, #tpu.memory_space<hbm>> -> memref<512x128xf32, #tpu.memory_space<hbm>>
      %dma_start3A_23 = arith.constant 0 : i32
      %dma_start3A_24 = tpu.memref_slice %arg4[%add3A_20, %dma_start3A_23] : memref<32768x128xf32, #tpu.memory_space<hbm>> -> memref<512x128xf32, #tpu.memory_space<hbm>>
      tpu.enqueue_dma source(%arg6 : memref<512x128xf32, #tpu.memory_space<vmem>>) target(%dma_start3A_24 : memref<512x128xf32, #tpu.memory_space<hbm>>) target_semaphore(%run_scoped3A : memref<!tpu.dma_semaphore, #tpu.memory_space<semaphore_mem>>)
      %dma_wait3A_25 = arith.constant 0 : i32
      %dma_wait3A_26 = tpu.memref_slice %arg4[%add3A_20, %dma_wait3A_25] : memref<32768x128xf32, #tpu.memory_space<hbm>> -> memref<512x128xf32, #tpu.memory_space<hbm>>
      %dma_wait3A_27 = arith.constant 0 : i32
      %dma_wait3A_28 = tpu.memref_slice %arg4[%add3A_20, %dma_wait3A_27] : memref<32768x128xf32, #tpu.memory_space<hbm>> -> memref<512x128xf32, #tpu.memory_space<hbm>>
      tpu.wait_dma2 semaphore(%run_scoped3A : memref<!tpu.dma_semaphore, #tpu.memory_space<semaphore_mem>>) src(%arg6 : memref<512x128xf32, #tpu.memory_space<vmem>>) dst(%dma_wait3A_28 : memref<512x128xf32, #tpu.memory_space<hbm>>)
      tpu.yield
    }) : () -> ()
    return
  }
}

module attributes {stable_mosaic.version = 14 : i64} {
  func.func @_fps_body(%arg0: memref<32x512xf32, #tpu.memory_space<vmem>>, %arg1: memref<32x512xf32, #tpu.memory_space<vmem>>, %arg2: memref<32x512xf32, #tpu.memory_space<vmem>>, %arg3: memref<4x256xf32, #tpu.memory_space<vmem>>, %arg4: memref<4x256xf32, #tpu.memory_space<vmem>>, %arg5: memref<4x256xf32, #tpu.memory_space<vmem>>) attributes {dimension_semantics = [], scalar_prefetch = 0 : i64, scratch_operands = 0 : i64, tpu.core_type = #tpu.core_type<tc>} {
    %get3A = arith.constant 0 : index
    %get3A_0 = arith.constant 0 : index
    %get3A_1 = vector.load %arg0[%get3A, %get3A_0] : memref<32x512xf32, #tpu.memory_space<vmem>>, vector<32x512xf32>
    %get3A_2 = arith.constant 0 : index
    %get3A_3 = arith.constant 0 : index
    %get3A_4 = vector.load %arg1[%get3A_2, %get3A_3] : memref<32x512xf32, #tpu.memory_space<vmem>>, vector<32x512xf32>
    %get3A_5 = arith.constant 0 : index
    %get3A_6 = arith.constant 0 : index
    %get3A_7 = vector.load %arg2[%get3A_5, %get3A_6] : memref<32x512xf32, #tpu.memory_space<vmem>>, vector<32x512xf32>
    %iota3A = tpu.iota {dimensions = array<i32: 0>} : vector<32x512xi32>
    %jit3A = arith.constant 8 : i32
    %eq3A = arith.constant 0 : i32
    %eq3A_8 = arith.cmpi eq, %jit3A, %eq3A : i32
    %jit3A_9 = arith.constant 1 : i32
    %select_n3A = arith.select %eq3A_8, %jit3A_9, %jit3A : i32
    %rem3A = vector.broadcast %select_n3A : i32 to vector<32x512xi32>
    %rem3A_10 = arith.remsi %iota3A, %rem3A : vector<32x512xi32>
    %ne3A = arith.constant 0 : i32
    %ne3A_11 = vector.broadcast %ne3A : i32 to vector<32x512xi32>
    %ne3A_12 = arith.cmpi ne, %rem3A_10, %ne3A_11 : vector<32x512xi32>
    %lt3A = arith.constant 0 : i32
    %lt3A_13 = vector.broadcast %lt3A : i32 to vector<32x512xi32>
    %lt3A_14 = arith.cmpi slt, %rem3A_10, %lt3A_13 : vector<32x512xi32>
    %lt3A_15 = arith.constant 0 : i32
    %lt3A_16 = arith.cmpi slt, %select_n3A, %lt3A_15 : i32
    %ne3A_17 = vector.broadcast %lt3A_16 : i1 to vector<32x512xi1>
    %ne3A_18 = vector.broadcast %ne3A_17 : vector<32x512xi1> to vector<32x512xi1>
    %ne3A_19 = arith.xori %lt3A_14, %ne3A_18 : vector<32x512xi1>
    %and3A = arith.andi %ne3A_19, %ne3A_12 : vector<32x512xi1>
    %add3A = vector.broadcast %select_n3A : i32 to vector<32x512xi32>
    %add3A_20 = arith.addi %rem3A_10, %add3A : vector<32x512xi32>
    %select_n3A_21 = arith.select %and3A, %add3A_20, %rem3A_10 : vector<32x512xi1>, vector<32x512xi32>
    %mul3A = arith.constant 512 : i32
    %mul3A_22 = vector.broadcast %mul3A : i32 to vector<32x512xi32>
    %mul3A_23 = arith.muli %select_n3A_21, %mul3A_22 : vector<32x512xi32>
    %iota3A_24 = tpu.iota {dimensions = array<i32: 1>} : vector<32x512xi32>
    %add3A_25 = arith.addi %mul3A_23, %iota3A_24 : vector<32x512xi32>
    %iota3A_26 = tpu.iota {dimensions = array<i32: 1>} : vector<4x256xi32>
    %broadcast_in_dim3A = arith.constant 1.000000e+10 : f32
    %broadcast_in_dim3A_27 = vector.broadcast %broadcast_in_dim3A : f32 to vector<32x512xf32>
    %broadcast_in_dim3A_28 = arith.constant 0 : i32
    %broadcast_in_dim3A_29 = vector.broadcast %broadcast_in_dim3A_28 : i32 to vector<32x512xi32>
    %broadcast_in_dim3A_30 = arith.constant 0.000000e+00 : f32
    %broadcast_in_dim3A_31 = vector.broadcast %broadcast_in_dim3A_30 : f32 to vector<4x256xf32>
    %broadcast_in_dim3A_32 = arith.constant 0.000000e+00 : f32
    %broadcast_in_dim3A_33 = vector.broadcast %broadcast_in_dim3A_32 : f32 to vector<4x256xf32>
    %broadcast_in_dim3A_34 = arith.constant 0.000000e+00 : f32
    %broadcast_in_dim3A_35 = vector.broadcast %broadcast_in_dim3A_34 : f32 to vector<4x256xf32>
    %scan3A = arith.constant 0 : i32
    %scan3A_36 = arith.constant 256 : i32
    %scan3A_37 = arith.addi %scan3A, %scan3A_36 : i32
    %scan3A_38 = arith.constant 1 : i32
    %scan3A_39:5 = scf.for %scan3A_49 = %scan3A to %scan3A_37 step %scan3A_38 iter_args(%scan3A_50 = %broadcast_in_dim3A_27, %scan3A_51 = %broadcast_in_dim3A_29, %scan3A_52 = %broadcast_in_dim3A_31, %scan3A_53 = %broadcast_in_dim3A_33, %scan3A_54 = %broadcast_in_dim3A_35) -> (vector<32x512xf32>, vector<32x512xi32>, vector<4x256xf32>, vector<4x256xf32>, vector<4x256xf32>)  : i32 {
      %eq3A_55 = arith.cmpi eq, %add3A_25, %scan3A_51 : vector<32x512xi32>
      %jit3A_56 = arith.constant 0.000000e+00 : f32
      %broadcast_in_dim3A_57 = vector.broadcast %jit3A_56 : f32 to vector<32x512xf32>
      %select_n3A_58 = arith.select %eq3A_55, %get3A_1, %broadcast_in_dim3A_57 : vector<32x512xi1>, vector<32x512xf32>
      %reshape3A = vector.shape_cast %select_n3A_58 : vector<32x512xf32> to vector<4x8x512xf32>
      %reduce_sum3A = arith.constant dense<0.000000e+00> : vector<4xf32>
      %reduce_sum3A_59 = vector.multi_reduction <add>, %reshape3A, %reduce_sum3A [1, 2] : vector<4x8x512xf32> to vector<4xf32>
      %broadcast_in_dim3A_60 = vector.shape_cast %reduce_sum3A_59 : vector<4xf32> to vector<4x1x1xf32>
      %jit3A_61 = arith.constant 0.000000e+00 : f32
      %broadcast_in_dim3A_62 = vector.broadcast %jit3A_61 : f32 to vector<32x512xf32>
      %select_n3A_63 = arith.select %eq3A_55, %get3A_4, %broadcast_in_dim3A_62 : vector<32x512xi1>, vector<32x512xf32>
      %reshape3A_64 = vector.shape_cast %select_n3A_63 : vector<32x512xf32> to vector<4x8x512xf32>
      %reduce_sum3A_65 = arith.constant dense<0.000000e+00> : vector<4xf32>
      %reduce_sum3A_66 = vector.multi_reduction <add>, %reshape3A_64, %reduce_sum3A_65 [1, 2] : vector<4x8x512xf32> to vector<4xf32>
      %broadcast_in_dim3A_67 = vector.shape_cast %reduce_sum3A_66 : vector<4xf32> to vector<4x1x1xf32>
      %jit3A_68 = arith.constant 0.000000e+00 : f32
      %broadcast_in_dim3A_69 = vector.broadcast %jit3A_68 : f32 to vector<32x512xf32>
      %select_n3A_70 = arith.select %eq3A_55, %get3A_7, %broadcast_in_dim3A_69 : vector<32x512xi1>, vector<32x512xf32>
      %reshape3A_71 = vector.shape_cast %select_n3A_70 : vector<32x512xf32> to vector<4x8x512xf32>
      %reduce_sum3A_72 = arith.constant dense<0.000000e+00> : vector<4xf32>
      %reduce_sum3A_73 = vector.multi_reduction <add>, %reshape3A_71, %reduce_sum3A_72 [1, 2] : vector<4x8x512xf32> to vector<4xf32>
      %broadcast_in_dim3A_74 = vector.shape_cast %reduce_sum3A_73 : vector<4xf32> to vector<4x1x1xf32>
      %eq3A_75 = vector.broadcast %scan3A_49 : i32 to vector<4x256xi32>
      %eq3A_76 = arith.cmpi eq, %iota3A_26, %eq3A_75 : vector<4x256xi32>
      %squeeze3A = vector.shape_cast %broadcast_in_dim3A_60 : vector<4x1x1xf32> to vector<4x1xf32>
      %jit3A_77 = arith.constant 0.000000e+00 : f32
      %broadcast_in_dim3A_78 = vector.shape_cast %squeeze3A : vector<4x1xf32> to vector<4x1xf32>
      %broadcast_in_dim3A_79 = vector.broadcast %broadcast_in_dim3A_78 : vector<4x1xf32> to vector<4x256xf32>
      %broadcast_in_dim3A_80 = vector.broadcast %jit3A_77 : f32 to vector<4x256xf32>
      %select_n3A_81 = arith.select %eq3A_76, %broadcast_in_dim3A_79, %broadcast_in_dim3A_80 : vector<4x256xi1>, vector<4x256xf32>
      %add3A_82 = arith.addf %scan3A_52, %select_n3A_81 : vector<4x256xf32>
      %squeeze3A_83 = vector.shape_cast %broadcast_in_dim3A_67 : vector<4x1x1xf32> to vector<4x1xf32>
      %jit3A_84 = arith.constant 0.000000e+00 : f32
      %broadcast_in_dim3A_85 = vector.shape_cast %squeeze3A_83 : vector<4x1xf32> to vector<4x1xf32>
      %broadcast_in_dim3A_86 = vector.broadcast %broadcast_in_dim3A_85 : vector<4x1xf32> to vector<4x256xf32>
      %broadcast_in_dim3A_87 = vector.broadcast %jit3A_84 : f32 to vector<4x256xf32>
      %select_n3A_88 = arith.select %eq3A_76, %broadcast_in_dim3A_86, %broadcast_in_dim3A_87 : vector<4x256xi1>, vector<4x256xf32>
      %add3A_89 = arith.addf %scan3A_53, %select_n3A_88 : vector<4x256xf32>
      %squeeze3A_90 = vector.shape_cast %broadcast_in_dim3A_74 : vector<4x1x1xf32> to vector<4x1xf32>
      %jit3A_91 = arith.constant 0.000000e+00 : f32
      %broadcast_in_dim3A_92 = vector.shape_cast %squeeze3A_90 : vector<4x1xf32> to vector<4x1xf32>
      %broadcast_in_dim3A_93 = vector.broadcast %broadcast_in_dim3A_92 : vector<4x1xf32> to vector<4x256xf32>
      %broadcast_in_dim3A_94 = vector.broadcast %jit3A_91 : f32 to vector<4x256xf32>
      %select_n3A_95 = arith.select %eq3A_76, %broadcast_in_dim3A_93, %broadcast_in_dim3A_94 : vector<4x256xi1>, vector<4x256xf32>
      %add3A_96 = arith.addf %scan3A_54, %select_n3A_95 : vector<4x256xf32>
      %broadcast_in_dim3A_97 = vector.shape_cast %broadcast_in_dim3A_60 : vector<4x1x1xf32> to vector<4x1x1xf32>
      %broadcast_in_dim3A_98 = vector.broadcast %broadcast_in_dim3A_97 : vector<4x1x1xf32> to vector<4x8x512xf32>
      %reshape3A_99 = vector.shape_cast %broadcast_in_dim3A_98 : vector<4x8x512xf32> to vector<32x512xf32>
      %sub3A = arith.subf %get3A_1, %reshape3A_99 : vector<32x512xf32>
      %broadcast_in_dim3A_100 = vector.shape_cast %broadcast_in_dim3A_67 : vector<4x1x1xf32> to vector<4x1x1xf32>
      %broadcast_in_dim3A_101 = vector.broadcast %broadcast_in_dim3A_100 : vector<4x1x1xf32> to vector<4x8x512xf32>
      %reshape3A_102 = vector.shape_cast %broadcast_in_dim3A_101 : vector<4x8x512xf32> to vector<32x512xf32>
      %sub3A_103 = arith.subf %get3A_4, %reshape3A_102 : vector<32x512xf32>
      %broadcast_in_dim3A_104 = vector.shape_cast %broadcast_in_dim3A_74 : vector<4x1x1xf32> to vector<4x1x1xf32>
      %broadcast_in_dim3A_105 = vector.broadcast %broadcast_in_dim3A_104 : vector<4x1x1xf32> to vector<4x8x512xf32>
      %reshape3A_106 = vector.shape_cast %broadcast_in_dim3A_105 : vector<4x8x512xf32> to vector<32x512xf32>
      %sub3A_107 = arith.subf %get3A_7, %reshape3A_106 : vector<32x512xf32>
      %mul3A_108 = arith.mulf %sub3A, %sub3A : vector<32x512xf32>
      %mul3A_109 = arith.mulf %sub3A_103, %sub3A_103 : vector<32x512xf32>
      %add3A_110 = arith.addf %mul3A_108, %mul3A_109 : vector<32x512xf32>
      %mul3A_111 = arith.mulf %sub3A_107, %sub3A_107 : vector<32x512xf32>
      %add3A_112 = arith.addf %add3A_110, %mul3A_111 : vector<32x512xf32>
      %min3A = arith.minimumf %scan3A_50, %add3A_112 : vector<32x512xf32>
      %reshape3A_113 = vector.shape_cast %min3A : vector<32x512xf32> to vector<4x8x512xf32>
      %reduce_max3A = arith.constant dense<0xFF800000> : vector<4xf32>
      %reduce_max3A_114 = vector.multi_reduction <maximumf>, %reshape3A_113, %reduce_max3A [1, 2] : vector<4x8x512xf32> to vector<4xf32>
      %broadcast_in_dim3A_115 = vector.shape_cast %reduce_max3A_114 : vector<4xf32> to vector<4x1x1xf32>
      %broadcast_in_dim3A_116 = vector.shape_cast %broadcast_in_dim3A_115 : vector<4x1x1xf32> to vector<4x1x1xf32>
      %broadcast_in_dim3A_117 = vector.broadcast %broadcast_in_dim3A_116 : vector<4x1x1xf32> to vector<4x8x512xf32>
      %reshape3A_118 = vector.shape_cast %broadcast_in_dim3A_117 : vector<4x8x512xf32> to vector<32x512xf32>
      %ge3A = arith.cmpf oge, %min3A, %reshape3A_118 : vector<32x512xf32>
      %jit3A_119 = arith.constant 4096 : i32
      %broadcast_in_dim3A_120 = vector.broadcast %jit3A_119 : i32 to vector<32x512xi32>
      %select_n3A_121 = arith.select %ge3A, %add3A_25, %broadcast_in_dim3A_120 : vector<32x512xi1>, vector<32x512xi32>
      %reshape3A_122 = vector.shape_cast %select_n3A_121 : vector<32x512xi32> to vector<4x8x512xi32>
      %reduce_min3A = arith.constant dense<2147483647> : vector<4xi32>
      %reduce_min3A_123 = vector.multi_reduction <minsi>, %reshape3A_122, %reduce_min3A [1, 2] : vector<4x8x512xi32> to vector<4xi32>
      %broadcast_in_dim3A_124 = vector.shape_cast %reduce_min3A_123 : vector<4xi32> to vector<4x1x1xi32>
      %broadcast_in_dim3A_125 = vector.shape_cast %broadcast_in_dim3A_124 : vector<4x1x1xi32> to vector<4x1x1xi32>
      %broadcast_in_dim3A_126 = vector.broadcast %broadcast_in_dim3A_125 : vector<4x1x1xi32> to vector<4x8x512xi32>
      %reshape3A_127 = vector.shape_cast %broadcast_in_dim3A_126 : vector<4x8x512xi32> to vector<32x512xi32>
      scf.yield %min3A, %reshape3A_127, %add3A_82, %add3A_89, %add3A_96 : vector<32x512xf32>, vector<32x512xi32>, vector<4x256xf32>, vector<4x256xf32>, vector<4x256xf32>
    }
    %scan3A_40 = arith.constant 256 : i32
    %swap3A = arith.constant 0 : index
    %swap3A_41 = arith.constant 0 : index
    %swap3A_42 = vector.load %arg3[%swap3A, %swap3A_41] : memref<4x256xf32, #tpu.memory_space<vmem>>, vector<4x256xf32>
    tpu.vector_store %arg3[%swap3A, %swap3A_41], %scan3A_39#2 {strides = array<i32>} : memref<4x256xf32, #tpu.memory_space<vmem>>, vector<4x256xf32>,
    %swap3A_43 = arith.constant 0 : index
    %swap3A_44 = arith.constant 0 : index
    %swap3A_45 = vector.load %arg4[%swap3A_43, %swap3A_44] : memref<4x256xf32, #tpu.memory_space<vmem>>, vector<4x256xf32>
    tpu.vector_store %arg4[%swap3A_43, %swap3A_44], %scan3A_39#3 {strides = array<i32>} : memref<4x256xf32, #tpu.memory_space<vmem>>, vector<4x256xf32>,
    %swap3A_46 = arith.constant 0 : index
    %swap3A_47 = arith.constant 0 : index
    %swap3A_48 = vector.load %arg5[%swap3A_46, %swap3A_47] : memref<4x256xf32, #tpu.memory_space<vmem>>, vector<4x256xf32>
    tpu.vector_store %arg5[%swap3A_46, %swap3A_47], %scan3A_39#4 {strides = array<i32>} : memref<4x256xf32, #tpu.memory_space<vmem>>, vector<4x256xf32>,
    return
  }
}

module attributes {stable_mosaic.version = 14 : i64} {
  func.func @_f1_body(%arg0: memref<16384x16xf32, #tpu.memory_space<vmem>>, %arg1: memref<16x128xf32, #tpu.memory_space<vmem>>, %arg2: memref<1x128xf32, #tpu.memory_space<vmem>>, %arg3: memref<16384x128xf32, #tpu.memory_space<vmem>>) attributes {dimension_semantics = [], scalar_prefetch = 0 : i64, scratch_operands = 0 : i64, tpu.core_type = #tpu.core_type<tc>} {
    %get3A = arith.constant 0 : index
    %get3A_0 = arith.constant 0 : index
    %get3A_1 = vector.load %arg0[%get3A, %get3A_0] : memref<16384x16xf32, #tpu.memory_space<vmem>>, vector<16384x16xf32>
    %get3A_2 = arith.constant 0 : index
    %get3A_3 = arith.constant 0 : index
    %get3A_4 = vector.load %arg1[%get3A_2, %get3A_3] : memref<16x128xf32, #tpu.memory_space<vmem>>, vector<16x128xf32>
    %dot_general3A = arith.constant dense<0.000000e+00> : vector<16384x128xf32>
    %dot_general3A_5 = tpu.matmul %get3A_1, %get3A_4, %dot_general3A {dimension_numbers = #tpu.dot_dimension_numbers<[1], [0], [0], [1], [0, 0, 1, 1], [], []>, transpose_lhs_hint = false} : vector<16384x16xf32>, vector<16x128xf32>, vector<16384x128xf32> -> vector<16384x128xf32>
    %get3A_6 = arith.constant 0 : index
    %get3A_7 = arith.constant 0 : index
    %get3A_8 = vector.load %arg2[%get3A_6, %get3A_7] : memref<1x128xf32, #tpu.memory_space<vmem>>, vector<1x128xf32>
    %add3A = vector.broadcast %get3A_8 : vector<1x128xf32> to vector<16384x128xf32>
    %add3A_9 = arith.addf %dot_general3A_5, %add3A : vector<16384x128xf32>
    %max3A = arith.constant 0.000000e+00 : f32
    %max3A_10 = vector.broadcast %max3A : f32 to vector<16384x128xf32>
    %max3A_11 = arith.maximumf %add3A_9, %max3A_10 : vector<16384x128xf32>
    %swap3A = arith.constant 0 : index
    %swap3A_12 = arith.constant 0 : index
    %swap3A_13 = vector.load %arg3[%swap3A, %swap3A_12] : memref<16384x128xf32, #tpu.memory_space<vmem>>, vector<16384x128xf32>
    tpu.vector_store %arg3[%swap3A, %swap3A_12], %max3A_11 {strides = array<i32>} : memref<16384x128xf32, #tpu.memory_space<vmem>>, vector<16384x128xf32>,
    return
  }
}

module attributes {stable_mosaic.version = 14 : i64} {
  func.func @_knn_body(%arg0: i32, %arg1: memref<1x256x8xf32, #tpu.memory_space<vmem>>, %arg2: memref<1x8x4096xf32, #tpu.memory_space<vmem>>, %arg3: memref<256x32xi32, #tpu.memory_space<vmem>>) attributes {dimension_semantics = [#tpu.dimension_semantics<arbitrary>], iteration_bounds = array<i64: 4>, scalar_prefetch = 0 : i64, scratch_operands = 0 : i64, tpu.core_type = #tpu.core_type<tc>, window_params = [{transform_indices = @transform_0, window_bounds = array<i64: 1, 256, 8>}, {transform_indices = @transform_1, window_bounds = array<i64: 1, 8, 4096>}, {transform_indices = @transform_2, window_bounds = array<i64: 256, 32>}]} {
    %get3A = arith.constant 0 : index
    %get3A_0 = arith.constant 0 : index
    %get3A_1 = arith.constant 0 : index
    %get3A_2 = vector.load %arg1[%get3A, %get3A_0, %get3A_1] : memref<1x256x8xf32, #tpu.memory_space<vmem>>, vector<1x256x8xf32>
    %get3A_3 = vector.shape_cast %get3A_2 : vector<1x256x8xf32> to vector<256x8xf32>
    %get3A_4 = arith.constant 0 : index
    %get3A_5 = arith.constant 0 : index
    %get3A_6 = arith.constant 0 : index
    %get3A_7 = vector.load %arg2[%get3A_4, %get3A_5, %get3A_6] : memref<1x8x4096xf32, #tpu.memory_space<vmem>>, vector<1x8x4096xf32>
    %get3A_8 = vector.shape_cast %get3A_7 : vector<1x8x4096xf32> to vector<8x4096xf32>
    %mul3A = arith.mulf %get3A_3, %get3A_3 : vector<256x8xf32>
    %reduce_sum3A = arith.constant dense<0.000000e+00> : vector<256xf32>
    %reduce_sum3A_9 = vector.multi_reduction <add>, %mul3A, %reduce_sum3A [1] : vector<256x8xf32> to vector<256xf32>
    %broadcast_in_dim3A = vector.shape_cast %reduce_sum3A_9 : vector<256xf32> to vector<256x1xf32>
    %mul3A_10 = arith.mulf %get3A_8, %get3A_8 : vector<8x4096xf32>
    %reduce_sum3A_11 = arith.constant dense<0.000000e+00> : vector<4096xf32>
    %reduce_sum3A_12 = vector.multi_reduction <add>, %mul3A_10, %reduce_sum3A_11 [0] : vector<8x4096xf32> to vector<4096xf32>
    %broadcast_in_dim3A_13 = vector.shape_cast %reduce_sum3A_12 : vector<4096xf32> to vector<1x4096xf32>
    %dot_general3A = arith.constant dense<0.000000e+00> : vector<256x4096xf32>
    %dot_general3A_14 = tpu.matmul %get3A_3, %get3A_8, %dot_general3A {dimension_numbers = #tpu.dot_dimension_numbers<[1], [0], [0], [1], [0, 0, 1, 1], [], []>, transpose_lhs_hint = false} : vector<256x8xf32>, vector<8x4096xf32>, vector<256x4096xf32> -> vector<256x4096xf32>
    %mul3A_15 = arith.constant 2.000000e+00 : f32
    %mul3A_16 = vector.broadcast %mul3A_15 : f32 to vector<256x4096xf32>
    %mul3A_17 = arith.mulf %mul3A_16, %dot_general3A_14 : vector<256x4096xf32>
    %sub3A = vector.broadcast %broadcast_in_dim3A : vector<256x1xf32> to vector<256x4096xf32>
    %sub3A_18 = arith.subf %sub3A, %mul3A_17 : vector<256x4096xf32>
    %add3A = vector.broadcast %broadcast_in_dim3A_13 : vector<1x4096xf32> to vector<256x4096xf32>
    %add3A_19 = arith.addf %sub3A_18, %add3A : vector<256x4096xf32>
    %iota3A = tpu.iota {dimensions = array<i32: 1>} : vector<256x4096xi32>
    %iota3A_20 = tpu.iota {dimensions = array<i32: 1>} : vector<256x32xi32>
    %broadcast_in_dim3A_21 = arith.constant 0 : i32
    %broadcast_in_dim3A_22 = vector.broadcast %broadcast_in_dim3A_21 : i32 to vector<256x32xi32>
    %scan3A = arith.constant 0 : i32
    %scan3A_23 = arith.constant 32 : i32
    %scan3A_24 = arith.addi %scan3A, %scan3A_23 : i32
    %scan3A_25 = arith.constant 1 : i32
    %scan3A_26:2 = scf.for %scan3A_30 = %scan3A to %scan3A_24 step %scan3A_25 iter_args(%scan3A_31 = %add3A_19, %scan3A_32 = %broadcast_in_dim3A_22) -> (vector<256x4096xf32>, vector<256x32xi32>)  : i32 {
      %reduce_min3A = arith.constant dense<0x7F800000> : vector<256xf32>
      %reduce_min3A_33 = vector.multi_reduction <minimumf>, %scan3A_31, %reduce_min3A [1] : vector<256x4096xf32> to vector<256xf32>
      %broadcast_in_dim3A_34 = vector.shape_cast %reduce_min3A_33 : vector<256xf32> to vector<256x1xf32>
      %le3A = vector.broadcast %broadcast_in_dim3A_34 : vector<256x1xf32> to vector<256x4096xf32>
      %le3A_35 = arith.cmpf ole, %scan3A_31, %le3A : vector<256x4096xf32>
      %jit3A = arith.constant 4096 : i32
      %broadcast_in_dim3A_36 = vector.broadcast %jit3A : i32 to vector<256x4096xi32>
      %select_n3A = arith.select %le3A_35, %iota3A, %broadcast_in_dim3A_36 : vector<256x4096xi1>, vector<256x4096xi32>
      %reduce_min3A_37 = arith.constant dense<2147483647> : vector<256xi32>
      %reduce_min3A_38 = vector.multi_reduction <minsi>, %select_n3A, %reduce_min3A_37 [1] : vector<256x4096xi32> to vector<256xi32>
      %broadcast_in_dim3A_39 = vector.shape_cast %reduce_min3A_38 : vector<256xi32> to vector<256x1xi32>
      %eq3A = vector.broadcast %scan3A_30 : i32 to vector<256x32xi32>
      %eq3A_40 = arith.cmpi eq, %iota3A_20, %eq3A : vector<256x32xi32>
      %mul3A_41 = arith.constant 4096 : i32
      %mul3A_42 = arith.muli %arg0, %mul3A_41 : i32
      %add3A_43 = vector.broadcast %mul3A_42 : i32 to vector<256x1xi32>
      %add3A_44 = arith.addi %broadcast_in_dim3A_39, %add3A_43 : vector<256x1xi32>
      %jit3A_45 = arith.constant 0 : i32
      %broadcast_in_dim3A_46 = vector.shape_cast %add3A_44 : vector<256x1xi32> to vector<256x1xi32>
      %broadcast_in_dim3A_47 = vector.broadcast %broadcast_in_dim3A_46 : vector<256x1xi32> to vector<256x32xi32>
      %broadcast_in_dim3A_48 = vector.broadcast %jit3A_45 : i32 to vector<256x32xi32>
      %select_n3A_49 = arith.select %eq3A_40, %broadcast_in_dim3A_47, %broadcast_in_dim3A_48 : vector<256x32xi1>, vector<256x32xi32>
      %add3A_50 = arith.addi %scan3A_32, %select_n3A_49 : vector<256x32xi32>
      %jit3A_51 = arith.constant 0x7F800000 : f32
      %broadcast_in_dim3A_52 = vector.broadcast %jit3A_51 : f32 to vector<256x4096xf32>
      %select_n3A_53 = arith.select %le3A_35, %broadcast_in_dim3A_52, %scan3A_31 : vector<256x4096xi1>, vector<256x4096xf32>
      scf.yield %select_n3A_53, %add3A_50 : vector<256x4096xf32>, vector<256x32xi32>
    }
    %scan3A_27 = arith.constant 32 : i32
    %swap3A = arith.constant 0 : index
    %swap3A_28 = arith.constant 0 : index
    %swap3A_29 = vector.load %arg3[%swap3A, %swap3A_28] : memref<256x32xi32, #tpu.memory_space<vmem>>, vector<256x32xi32>
    tpu.vector_store %arg3[%swap3A, %swap3A_28], %scan3A_26#1 {strides = array<i32>} : memref<256x32xi32, #tpu.memory_space<vmem>>, vector<256x32xi32>,
    return
  }
  func.func @transform_0(%arg0: i32) -> (i32, i32, i32) {
    %c0_i32 = arith.constant 0 : i32
    %c0_i32_0 = arith.constant 0 : i32
    %c0_i32_1 = arith.constant 0 : i32
    return %arg0, %c0_i32, %c0_i32_0 : i32, i32, i32
  }
  func.func @transform_1(%arg0: i32) -> (i32, i32, i32) {
    %c0_i32 = arith.constant 0 : i32
    %c0_i32_0 = arith.constant 0 : i32
    %c0_i32_1 = arith.constant 0 : i32
    return %arg0, %c0_i32, %c0_i32_0 : i32, i32, i32
  }
  func.func @transform_2(%arg0: i32) -> (i32, i32) {
    %c0_i32 = arith.constant 0 : i32
    %c0_i32_0 = arith.constant 0 : i32
    return %arg0, %c0_i32 : i32, i32
  }
}

module attributes {stable_mosaic.version = 14 : i64} {
  func.func @_encoder_body(%arg0: i32, %arg1: memref<4096x128xf32, #tpu.memory_space<vmem>>, %arg2: memref<128x256xf32, #tpu.memory_space<vmem>>, %arg3: memref<1x256xf32, #tpu.memory_space<vmem>>, %arg4: memref<256x512xf32, #tpu.memory_space<vmem>>, %arg5: memref<256x512xf32, #tpu.memory_space<vmem>>, %arg6: memref<1x512xf32, #tpu.memory_space<vmem>>, %arg7: memref<512x384xf32, #tpu.memory_space<vmem>>, %arg8: memref<1x384xf32, #tpu.memory_space<vmem>>, %arg9: memref<128x384xf32, #tpu.memory_space<vmem>>) attributes {dimension_semantics = [#tpu.dimension_semantics<arbitrary>], iteration_bounds = array<i64: 8>, scalar_prefetch = 0 : i64, scratch_operands = 0 : i64, tpu.core_type = #tpu.core_type<tc>, window_params = [{transform_indices = @transform_0, window_bounds = array<i64: 4096, 128>}, {pipeline_mode = #tpu.pipeline_mode<synchronous>, transform_indices = @transform_1, window_bounds = array<i64: 128, 256>}, {pipeline_mode = #tpu.pipeline_mode<synchronous>, transform_indices = @transform_2, window_bounds = array<i64: 1, 256>}, {pipeline_mode = #tpu.pipeline_mode<synchronous>, transform_indices = @transform_3, window_bounds = array<i64: 256, 512>}, {pipeline_mode = #tpu.pipeline_mode<synchronous>, transform_indices = @transform_4, window_bounds = array<i64: 256, 512>}, {pipeline_mode = #tpu.pipeline_mode<synchronous>, transform_indices = @transform_5, window_bounds = array<i64: 1, 512>}, {pipeline_mode = #tpu.pipeline_mode<synchronous>, transform_indices = @transform_6, window_bounds = array<i64: 512, 384>}, {pipeline_mode = #tpu.pipeline_mode<synchronous>, transform_indices = @transform_7, window_bounds = array<i64: 1, 384>}, {transform_indices = @transform_8, window_bounds = array<i64: 128, 384>}]} {
    %get3A = arith.constant 0 : index
    %get3A_0 = arith.constant 0 : index
    %get3A_1 = vector.load %arg1[%get3A, %get3A_0] : memref<4096x128xf32, #tpu.memory_space<vmem>>, vector<4096x128xf32>
    %get3A_2 = arith.constant 0 : index
    %get3A_3 = arith.constant 0 : index
    %get3A_4 = vector.load %arg2[%get3A_2, %get3A_3] : memref<128x256xf32, #tpu.memory_space<vmem>>, vector<128x256xf32>
    %dot_general3A = arith.constant dense<0.000000e+00> : vector<4096x256xf32>
    %dot_general3A_5 = tpu.matmul %get3A_1, %get3A_4, %dot_general3A {dimension_numbers = #tpu.dot_dimension_numbers<[1], [0], [0], [1], [0, 0, 1, 1], [], []>, transpose_lhs_hint = false} : vector<4096x128xf32>, vector<128x256xf32>, vector<4096x256xf32> -> vector<4096x256xf32>
    %get3A_6 = arith.constant 0 : index
    %get3A_7 = arith.constant 0 : index
    %get3A_8 = vector.load %arg3[%get3A_6, %get3A_7] : memref<1x256xf32, #tpu.memory_space<vmem>>, vector<1x256xf32>
    %add3A = vector.broadcast %get3A_8 : vector<1x256xf32> to vector<4096x256xf32>
    %add3A_9 = arith.addf %dot_general3A_5, %add3A : vector<4096x256xf32>
    %reshape3A = vector.shape_cast %add3A_9 : vector<4096x256xf32> to vector<128x32x256xf32>
    %reduce_max3A = arith.constant dense<0xFF800000> : vector<128x256xf32>
    %reduce_max3A_10 = vector.multi_reduction <maximumf>, %reshape3A, %reduce_max3A [1] : vector<128x32x256xf32> to vector<128x256xf32>
    %get3A_11 = arith.constant 0 : index
    %get3A_12 = arith.constant 0 : index
    %get3A_13 = vector.load %arg4[%get3A_11, %get3A_12] : memref<256x512xf32, #tpu.memory_space<vmem>>, vector<256x512xf32>
    %dot_general3A_14 = arith.constant dense<0.000000e+00> : vector<128x512xf32>
    %dot_general3A_15 = tpu.matmul %reduce_max3A_10, %get3A_13, %dot_general3A_14 {dimension_numbers = #tpu.dot_dimension_numbers<[1], [0], [0], [1], [0, 0, 1, 1], [], []>, transpose_lhs_hint = false} : vector<128x256xf32>, vector<256x512xf32>, vector<128x512xf32> -> vector<128x512xf32>
    %broadcast_in_dim3A = vector.shape_cast %dot_general3A_15 : vector<128x512xf32> to vector<128x1x512xf32>
    %broadcast_in_dim3A_16 = vector.shape_cast %broadcast_in_dim3A : vector<128x1x512xf32> to vector<128x1x512xf32>
    %broadcast_in_dim3A_17 = vector.broadcast %broadcast_in_dim3A_16 : vector<128x1x512xf32> to vector<128x32x512xf32>
    %reshape3A_18 = vector.shape_cast %broadcast_in_dim3A_17 : vector<128x32x512xf32> to vector<4096x512xf32>
    %get3A_19 = arith.constant 0 : index
    %get3A_20 = arith.constant 0 : index
    %get3A_21 = vector.load %arg5[%get3A_19, %get3A_20] : memref<256x512xf32, #tpu.memory_space<vmem>>, vector<256x512xf32>
    %dot_general3A_22 = arith.constant dense<0.000000e+00> : vector<4096x512xf32>
    %dot_general3A_23 = tpu.matmul %add3A_9, %get3A_21, %dot_general3A_22 {dimension_numbers = #tpu.dot_dimension_numbers<[1], [0], [0], [1], [0, 0, 1, 1], [], []>, transpose_lhs_hint = false} : vector<4096x256xf32>, vector<256x512xf32>, vector<4096x512xf32> -> vector<4096x512xf32>
    %add3A_24 = arith.addf %dot_general3A_23, %reshape3A_18 : vector<4096x512xf32>
    %get3A_25 = arith.constant 0 : index
    %get3A_26 = arith.constant 0 : index
    %get3A_27 = vector.load %arg6[%get3A_25, %get3A_26] : memref<1x512xf32, #tpu.memory_space<vmem>>, vector<1x512xf32>
    %add3A_28 = vector.broadcast %get3A_27 : vector<1x512xf32> to vector<4096x512xf32>
    %add3A_29 = arith.addf %add3A_24, %add3A_28 : vector<4096x512xf32>
    %max3A = arith.constant 0.000000e+00 : f32
    %max3A_30 = vector.broadcast %max3A : f32 to vector<4096x512xf32>
    %max3A_31 = arith.maximumf %add3A_29, %max3A_30 : vector<4096x512xf32>
    %get3A_32 = arith.constant 0 : index
    %get3A_33 = arith.constant 0 : index
    %get3A_34 = vector.load %arg7[%get3A_32, %get3A_33] : memref<512x384xf32, #tpu.memory_space<vmem>>, vector<512x384xf32>
    %dot_general3A_35 = arith.constant dense<0.000000e+00> : vector<4096x384xf32>
    %dot_general3A_36 = tpu.matmul %max3A_31, %get3A_34, %dot_general3A_35 {dimension_numbers = #tpu.dot_dimension_numbers<[1], [0], [0], [1], [0, 0, 1, 1], [], []>, transpose_lhs_hint = false} : vector<4096x512xf32>, vector<512x384xf32>, vector<4096x384xf32> -> vector<4096x384xf32>
    %get3A_37 = arith.constant 0 : index
    %get3A_38 = arith.constant 0 : index
    %get3A_39 = vector.load %arg8[%get3A_37, %get3A_38] : memref<1x384xf32, #tpu.memory_space<vmem>>, vector<1x384xf32>
    %add3A_40 = vector.broadcast %get3A_39 : vector<1x384xf32> to vector<4096x384xf32>
    %add3A_41 = arith.addf %dot_general3A_36, %add3A_40 : vector<4096x384xf32>
    %reshape3A_42 = vector.shape_cast %add3A_41 : vector<4096x384xf32> to vector<128x32x384xf32>
    %reduce_max3A_43 = arith.constant dense<0xFF800000> : vector<128x384xf32>
    %reduce_max3A_44 = vector.multi_reduction <maximumf>, %reshape3A_42, %reduce_max3A_43 [1] : vector<128x32x384xf32> to vector<128x384xf32>
    %swap3A = arith.constant 0 : index
    %swap3A_45 = arith.constant 0 : index
    %swap3A_46 = vector.load %arg9[%swap3A, %swap3A_45] : memref<128x384xf32, #tpu.memory_space<vmem>>, vector<128x384xf32>
    tpu.vector_store %arg9[%swap3A, %swap3A_45], %reduce_max3A_44 {strides = array<i32>} : memref<128x384xf32, #tpu.memory_space<vmem>>, vector<128x384xf32>,
    return
  }
  func.func @transform_0(%arg0: i32) -> (i32, i32) {
    %c0_i32 = arith.constant 0 : i32
    %c0_i32_0 = arith.constant 0 : i32
    return %arg0, %c0_i32 : i32, i32
  }
  func.func @transform_1(%arg0: i32) -> (i32, i32) {
    %c0_i32 = arith.constant 0 : i32
    %c0_i32_0 = arith.constant 0 : i32
    %c0_i32_1 = arith.constant 0 : i32
    return %c0_i32, %c0_i32_0 : i32, i32
  }
  func.func @transform_2(%arg0: i32) -> (i32, i32) {
    %c0_i32 = arith.constant 0 : i32
    %c0_i32_0 = arith.constant 0 : i32
    %c0_i32_1 = arith.constant 0 : i32
    return %c0_i32, %c0_i32_0 : i32, i32
  }
  func.func @transform_3(%arg0: i32) -> (i32, i32) {
    %c0_i32 = arith.constant 0 : i32
    %c0_i32_0 = arith.constant 0 : i32
    %c0_i32_1 = arith.constant 0 : i32
    return %c0_i32, %c0_i32_0 : i32, i32
  }
  func.func @transform_4(%arg0: i32) -> (i32, i32) {
    %c0_i32 = arith.constant 0 : i32
    %c0_i32_0 = arith.constant 0 : i32
    %c0_i32_1 = arith.constant 0 : i32
    return %c0_i32, %c0_i32_0 : i32, i32
  }
  func.func @transform_5(%arg0: i32) -> (i32, i32) {
    %c0_i32 = arith.constant 0 : i32
    %c0_i32_0 = arith.constant 0 : i32
    %c0_i32_1 = arith.constant 0 : i32
    return %c0_i32, %c0_i32_0 : i32, i32
  }
  func.func @transform_6(%arg0: i32) -> (i32, i32) {
    %c0_i32 = arith.constant 0 : i32
    %c0_i32_0 = arith.constant 0 : i32
    %c0_i32_1 = arith.constant 0 : i32
    return %c0_i32, %c0_i32_0 : i32, i32
  }
  func.func @transform_7(%arg0: i32) -> (i32, i32) {
    %c0_i32 = arith.constant 0 : i32
    %c0_i32_0 = arith.constant 0 : i32
    %c0_i32_1 = arith.constant 0 : i32
    return %c0_i32, %c0_i32_0 : i32, i32
  }
  func.func @transform_8(%arg0: i32) -> (i32, i32) {
    %c0_i32 = arith.constant 0 : i32
    %c0_i32_0 = arith.constant 0 : i32
    return %arg0, %c0_i32 : i32, i32
  }
}

</mosaic_0001>

<sc_bundles>
// kernel: kernel.7.cloned.1.call-start
scs
__scs_entry_jumppad:
0x0: {  	(pc) =	sbr.rel $0x88, $3  }
0x1: {  	(tag) =	ssettag $0x0;
	lr =	simm.s32 $0x1  }
0x2: {  	[smem:$0x3F93] =	sst lr;
	_ =	strace $0xD0000000  }
0x3: {  	_ = 	snop  }
0x4: {  	_ = 	snop  }
0x5: {  	_ = 	snop  }
0x6: {  	_ = 	snop  }
0x7: {  	_ = 	snop  }
__scs_overlays_trampoline_lowered:
0x8: {  	[smem:$0x3FA2] =	sst s0  }
0x9: {  	[smem:$0x3FA3] =	sst s1  }
0xa: {  	[smem:$0x3FA4] =	sst s2  }
0xb: {  	[smem:$0x3FA5] =	sst s3  }
0xc: {  	[smem:$0x3FA6] =	sst s4  }
0xd: {  	[smem:$0x3FA7] =	sst s5  }
0xe: {  	[smem:$0x3FA8] =	sst s6  }
0xf: {  	[smem:$0x3FA9] =	sst s7  }
0x10: {  	[smem:$0x3FAA] =	sst s8  }
0x11: {  	[smem:$0x3FAB] =	sst s9;
	s0 =	simm.s32 @!p0 $0x0  }
0x12: {  	s1 =	sld [smem:$0x3F91];
	s0 =	simm.s32 @p0 $0x1  }
0x13: {  	[smem:$0x3FAC] =	sst s0;
	s0 =	simm.s32 @!p1 $0x0  }
0x14: {  	s2 =	sld [smem:$0x3F90];
	s0 =	simm.s32 @p1 $0x1  }
0x15: {  	[smem:$0x3FAD] =	sst s0;
	s0 =	simm.s32 @!p2 $0x0  }
0x16: {  	s3 =	sld [smem:$0x3FDB];
	s0 =	simm.s32 @p2 $0x1  }
0x17: {  	s4 =	simm.s32 $0x1BF5;
	[smem:$0x3FAF] =	sst s0  }
0x18: {  	s0 =	sld [smem:$0x3F92];
	_ =	swait.ge [sflag:s4], $0x0  }
0x19: {  	s7 =	sld [smem:$0x3F93]  }
0x1a: {  	s8 =	sadd.s32 $0xFFFFE003, lr  }
0x1b: {  	s9 =	sadd.s32 $0xFFFFFEF7, lr;
	s5 =	simm.s32 $0xFFFFFFFF;
	p2 =	slt.u32 s8, $0xFFFFF086  }
0x1c: {  	p1 =	slt.u32 s9, $0xF7A;
	s5 =	simm.s32 @!p2 $0x0  }
0x1d: {  	s5 =	simm.s32 @p1 $0x1;
	p0 =	seq.s32 s7, s2  }
0x1e: {  	s7 =	smul.u32 @!p0 $0xF7A, s2;
	p2 =	seq.s32 @!p0 s5, $0x0  }
0x1f: {  	s9 =	smul.u32 $0xF7A, s1;
	s8 =	simm.s32 @!p0 $0x1BF5;
	p2 =	por !p2, p0  }
0x20: {  	[sflag:s8] =	ssyncset.s32 @!p0 $0xFFFFF086;
	s6 =	sadd.s32 @!p0 s3, s7;
	s7 =	simm.s32 @!p0 $0x108  }
0x21: {  	s3 =	sadd.s32 s3, s9;
	s6 =	sadd.s32 @!p0 $0x88, s6;
	s7 =	simm.s32 @p2 $0x1082  }
0x22: {  	[simem:s7], [sflag:s8] =	dma.local @!p0 [hbm:s6], $0xF7A  }
0x23: {  	s9 =	sor.u32 $0xD0000000, s2;
	s6 =	simm.s32 $0x108;
	_ =	swait.ge @!p0 [sflag:s8], $0x0  }
0x24: {  	s3 =	sadd.s32 $0x88, s3;
	s6 =	simm.s32 @!p1 $0x1082;
	[sflag:s4] =	ssyncset.s32 $0xFFFFF086  }
0x25: {  	[simem:s6], [sflag:s4] =	dma.local [hbm:s3], $0xF7A  }
0x26: {  	[smem:$0x3F93] =	sst s1;
	(tag) =	ssettag s2;
	_ =	strace s9  }
0x27: {  	s1 =	sld [smem:$0x3FA3]  }
0x28: {  	s2 =	sld [smem:$0x3FA4]  }
0x29: {  	s4 =	sld [smem:$0x3FA6]  }
0x2a: {  	p0 =	seq.s32 s5, $0x0;
	s5 =	sld [smem:$0x3FA7]  }
0x2b: {  	s6 =	sld [smem:$0x3FA8]  }
0x2c: {  	s7 =	sld [smem:$0x3FA9]  }
0x2d: {  	s3 =	simm.s32 $0x108;
	s8 =	sld [smem:$0x3FAA]  }
0x2e: {  	s3 =	simm.s32 @!p0 $0x1082;
	s9 =	sld [smem:$0x3FAB]  }
0x2f: {  	lr =	sadd.s32 s0, s3;
	s0 =	sld [smem:$0x3FA2]  }
0x30: {  	s3 =	sld [smem:$0x3FA5]  }
0x31: {  	[smem:$0x3FAE] =	sst s10  }
0x32: {  	s10 =	sld [smem:$0x3FAC];
	_ =	sdelay $0x3  }
0x33: {  	p0 =	seq.s32 s10, $0x1;
	s10 =	sld [smem:$0x3FAE];
	_ =	sdelay $0x3  }
0x34: {  	[smem:$0x3FAE] =	sst s10  }
0x35: {  	s10 =	sld [smem:$0x3FAD];
	_ =	sdelay $0x3  }
0x36: {  	p1 =	seq.s32 s10, $0x1;
	s10 =	sld [smem:$0x3FAE];
	_ =	sdelay $0x3  }
0x37: {  	[smem:$0x3FAE] =	sst s10  }
0x38: {  	s10 =	sld [smem:$0x3FAF]  }
0x39: {  	_ = 	snop;
	(pc) =	sbr.ind lr, $3  }
0x3a: {  	_ = 	snop  }
0x3b: {  	_ = 	snop  }
0x3c: {  	p2 =	seq.s32 s10, $0x1;
	s10 =	sld [smem:$0x3FAE]  }
0x3d: {  	_ =	shalt  }
0x3e: {  	_ =	shalt  }
0x3f: {  	_ =	shalt  }
0x40: {  	_ =	shalt  }
0x41: {  	_ =	shalt  }
0x42: {  	_ =	shalt  }
0x43: {  	_ =	shalt  }
0x44: {  	_ =	shalt  }
0x45: {  	_ =	shalt  }
0x46: {  	_ =	shalt  }
0x47: {  	_ =	shalt  }
0x48: {  	_ =	shalt  }
0x49: {  	_ =	shalt  }
0x4a: {  	_ =	shalt  }
0x4b: {  	_ =	shalt  }
0x4c: {  	_ =	shalt  }
0x4d: {  	_ =	shalt  }
0x4e: {  	_ =	shalt  }
0x4f: {  	_ =	shalt  }
0x50: {  	_ =	shalt  }
0x51: {  	_ =	shalt  }
0x52: {  	_ =	shalt  }
0x53: {  	_ =	shalt  }
0x54: {  	_ =	shalt  }
0x55: {  	_ =	shalt  }
0x56: {  	_ =	shalt  }
0x57: {  	_ =	shalt  }
0x58: {  	_ =	shalt  }
0x59: {  	_ =	shalt  }
0x5a: {  	_ =	shalt  }
0x5b: {  	_ =	shalt  }
0x5c: {  	_ =	shalt  }
0x5d: {  	_ =	shalt  }
0x5e: {  	_ =	shalt  }
0x5f: {  	_ =	shalt  }
0x60: {  	_ =	shalt  }
0x61: {  	_ =	shalt  }
0x62: {  	_ =	shalt  }
0x63: {  	_ =	shalt  }
0x64: {  	_ =	shalt  }
0x65: {  	_ =	shalt  }
0x66: {  	_ =	shalt  }
0x67: {  	_ =	shalt  }
0x68: {  	_ =	shalt  }
0x69: {  	_ =	shalt  }
0x6a: {  	_ =	shalt  }
0x6b: {  	_ =	shalt  }
0x6c: {  	_ =	shalt  }
0x6d: {  	_ =	shalt  }
0x6e: {  	_ =	shalt  }
0x6f: {  	_ =	shalt  }
0x70: {  	_ =	shalt  }
0x71: {  	_ =	shalt  }
0x72: {  	_ =	shalt  }
0x73: {  	_ =	shalt  }
0x74: {  	_ =	shalt  }
0x75: {  	_ =	shalt  }
0x76: {  	_ =	shalt  }
0x77: {  	_ =	shalt  }
0x78: {  	_ =	shalt  }
0x79: {  	_ =	shalt  }
0x7a: {  	_ =	shalt  }
0x7b: {  	_ =	shalt  }
0x7c: {  	_ =	shalt  }
0x7d: {  	_ =	shalt  }
0x7e: {  	_ =	shalt  }
0x7f: {  	_ =	shalt  }
0x80: {  	_ =	shalt  }
0x81: {  	_ =	shalt  }
0x82: {  	_ =	shalt  }
0x83: {  	_ =	shalt  }
0x84: {  	_ =	shalt  }
0x85: {  	_ =	shalt  }
0x86: {  	_ =	shalt  }
0x87: {  	_ =	shalt  }
.Lfunc_end0:
.L_simem_size_0:
called_computation_lowered:
.L_overlay_start_0:
0x88: {  	s2 =	sld [smem:$0x3FD9]  }
0x89: {  	s3 =	sld [smem:$0x3FFE];
	_ =	sdelay $0x1  }
0x8a: {  	s1 =	srdreg.scid  }
0x8b: {  	s0 =	sand.u32 $0x1, s1  }
0x8c: {  	s14 =	sshll.u32 s0, $0xA;
	s2 =	sadd.s32 s3, s2  }
0x8d: {  	s2 =	sadd.s32 s2, s14  }
0x8e: {  	[smem:$0x3FBA] =	sst s2  }
0x8f: {  	_ = 	snop  }
0x90: {  	s2 =	sld [smem:$0x3FD0];
	_ =	sdelay $0x2  }
0x91: {  	s15 =	simm.s32 $0xA;
	s4 =	simm.s32 $0x10  }
0x92: {  	[smem:s4], [sflag:s15] =	dma.local [hbm:s2], $0x1  }
0x93: {  	_ =	swait.eq [sflag:s15], $0x1  }
0x94: {  	[sflag:s15] =	ssyncset.done $0x0  }
0x95: {  	[sflag:s15] =	ssyncadd.s32 $0xFFFFFFFF  }
0x96: {  	s16 =	sld [smem:$0x11];
	(tm) =	ssettm $0x1  }
0x97: {  	s17 =	sld [smem:$0x3FFB];
	_ =	sdelay $0x3  }
0x98: {  	_ =	strace s17  }
0x99: {  	s3 =	sld [smem:$0x3FFC];
	_ =	sdelay $0x3  }
0x9a: {  	_ =	strace s3  }
0x9b: {  	s3 =	sld [smem:$0x3FFD];
	_ =	sdelay $0x3  }
0x9c: {  	_ =	strace s3  }
0x9d: {  	_ =	strace $0x8FFFFFFF  }
0x9e: {  	s18 =	sld [smem:$0x3FDB];
	_ =	sdelay $0x1  }
0x9f: {  	s19 =	simm.s32 $_scs_section_size  }
0xa0: {  	s5 =	simm.s32 $_size__tile_overlayer_lowered;
	s6 =	simm.s32 $_tile_overlayer_lowered  }
0xa1: {  	s22 =	simm.s32 $0x1BFF;
	s21 =	sshll.u32 s6, $0x1;
	s3 =	sadd.s32 s19, s18  }
0xa2: {  	s7 =	simm.s32 $0x0;
	s20 =	sshll.u32 s5, $0x1;
	s5 =	sadd.s32 s21, s3  }
0xa3: {  	[timem:s7], [sflag:s22] =	dma.local [hbm:s5], s20  }
0xa4: {  	_ =	swait.ge [sflag:s22], s20  }
0xa5: {  	s4 =	ssub.s32 $0x0, s20;
	[sflag:s22] =	ssyncset.done $0x0  }
0xa6: {  	[sflag:s22] =	ssyncadd.s32 s4;
	_ =	sdelay $0x1  }
0xa7: {  	s23 =	simm.s32 $0x1B8B  }
0xa8: {  	_ =	swait.ge [sflag:s23], $0x1  }
0xa9: {  	[sflag:s23] =	ssyncset.done $0x0  }
0xaa: {  	s25 =	simm.s32 $0x1B8E;
	s24 =	sld [smem:$0x3FFE];
	[sflag:s23] =	ssyncadd.s32 $0xFFFFFFFF  }
0xab: {  	s26 =	simm.s32 $execute0_lowered;
	[smem:$0x3FD2] =	sst s25  }
0xac: {  	s5 =	sshll.u32 s26, $0x1;
	_ =	strace $0x80000046;
	[dreg:$0x1] =	wrdreg $0xFFFFFFFF  }
0xad: {  	s28 =	simm.s32 $_size_execute0_lowered;
	s3 =	sadd.s32 s3, s5;
	[dreg:$0x0] =	wrdreg $0x0  }
0xae: {  	s5 =	sshll.u32 s28, $0x1;
	[dreg:$0x2] =	wrdreg s3  }
0xaf: {  	[dreg:$0x3] =	wrdreg s5  }
0xb0: {  	[dreg:$0x4] =	wrdreg $0xC0  }
0xb1: {  	_ =	task [dreg:s7], $0x5FFFF  }
0xb2: {  	[dreg:$0x1] =	wrdreg $0xFFFFFFFF  }
0xb3: {  	[dreg:$0x0] =	wrdreg $0x60  }
0xb4: {  	[dreg:$0x2] =	wrdreg s24  }
0xb5: {  	[dreg:$0x3] =	wrdreg s16  }
0xb6: {  	[dreg:$0x4] =	wrdreg $0x9  }
0xb7: {  	_ =	task.clear_ibuf [dreg:s7], $0x5FFFF;
	_ =	strace $0x90000046  }
0xb8: {  	s29 =	simm.s32 $0x9;
	_ =	strace $0x80000048  }
0xb9: {  	_ =	swait.ge [sflag:s29], $0x1  }
0xba: {  	[sflag:s29] =	ssyncadd.s32 $0xFFFFFFFF  }
0xbb: {  	_ =	strace $0x90000048  }
0xbc: {  	_ =	sfence  }
0xbd: {  	s30 =	sld [smem:$0x0];
	_ =	sdelay $0x2  }
0xbe: {  	s31 =	sshll.u32 s1, $0xD;
	s1 =	sshrl.u32 s1, $0x2  }
0xbf: {  	s3 =	sand.u32 $0x4000, s31;
	s1 =	sadd.s32 s1, s30  }
0xc0: {  	s0 =	sor.u32 s3, s0;
	s1 =	sshll.u32 s1, $0x11  }
0xc1: {  	s0 =	sor.u32 s1, s0  }
0xc2: {  	s0 =	sadd.s32 $0x8F2B, s0  }
0xc3: {  	[sflag:s0] =	ssyncadd.remote.s32 $0x1  }
0xc4: {  	_ =	sfence.sel $0xFFFF  }
0xc5: {  	[dreg:$0x0] =	wrdreg $0xFFFFFFFF;
	(pc) =	sbr.abs _section_cstart, $3  }
0xc6: {  	[dreg:$0x1] =	wrdreg $0xFFFFFFFF  }
0xc7: {  	_ =	task.clear_ibuf [dreg:s7], $0x2FFFF;
	_ =	strace $0x9FFFFFFF  }
0xc8: {  	(tm) =	ssettm $0x7FFFFFFF  }
0xc9: {  	_ =	shalt  }
tec
execute0_lowered:
.L_overlay_start_1:
0x0: {  	(tag) =	ssettag $0x1  }
0x1: {  	s1 =	srdreg.scid  }
0x2: {  	s8 =	rddreg [dreg:$0x0];
	s0 =	stileid.u32;
	s10 =	sand.u32 $0x1, s1  }
0x3: {  	s9 =	rddreg [dreg:$0x1];
	s3 =	sshll.u32 s0, $0xB;
	s4 =	sshll.u32 s10, $0xA  }
0x4: {  	s2 =	simm.s32 $0x0;
	s1 =	rddreg [dreg:$0x2];
	s11 =	sor.u32 s4, s3  }
0x5: {  	[smem:$0x7FF] =	sst s2;
	s3 =	sshrl.u32 s11, $0x3  }
0x6: {  	_ =	strace $0x80000047;
	s4 =	sadd.s32 s9, s3;
	s3 =	simm.s32 $0x2  }
0x7: {  	[tilespmem:s2], [sflag:$0x2] =	stream.linear.gather [hbm4b:s4+s2], $0x200, $0x38;
	[tilespmem:$0x10200] =	vst v63  }
0x8: {  	_ =	swait.ge [sflag:s3], $0x200  }
0x9: {  	s6 =	simm.s32 $0x200;
	[sflag:s3] =	ssyncset.done $0x0  }
0xa: {  	s7 =	simm.s32 $0x1;
	s5 =	sadd.s32 $0x2E00, s8;
	[sflag:s3] =	ssyncadd.s32 $0xFFFFFE00  }
0xb: {  	[tilespmem:s6], [sflag:$0x1] =	stream.indirect.gather [hbm4b:s5+s6], $0x80, s2, s6, $0xb8;
	[tilespmem:$0x10200] =	vst v63  }
0xc: {  	_ =	swait.ge [sflag:s7], $0x10000  }
0xd: {  	s12 =	sadd.s32 $0x42E00, s8;
	s28 =	sshll.u32 s11, $0x4;
	[sflag:s7] =	ssyncset.done $0x0  }
0xe: {  	s8 =	sadd.s32 s12, s28;
	[sflag:s7] =	ssyncadd.s32 $0xFFFF0000  }
0xf: {  	[hbm4b:s8+s2] =	stream.linear.scatter [tilespmem:s6], [sflag:$0x2], $0x10000, $0x38;
	[tilespmem:$0x10200] =	vst v63  }
0x10: {  	s11 =	sor.u32 $0x200, s11;
	_ =	swait.ge [sflag:s3], $0x10000  }
0x11: {  	s13 =	sshrl.u32 s11, $0x3;
	[sflag:s3] =	ssyncset.done $0x0  }
0x12: {  	s10 =	ssub.s32 $0x2, s10;
	s9 =	sadd.s32 s9, s13;
	[sflag:s3] =	ssyncadd.s32 $0xFFFF0000  }
0x13: {  	[tilespmem:s2], [sflag:$0x2] =	stream.linear.gather [hbm4b:s9+s2], $0x200, $0x38;
	[tilespmem:$0x10200] =	vst v63  }
0x14: {  	s29 =	sshrl.u32 s10, $0x1;
	_ =	swait.ge [sflag:s3], $0x200  }
0x15: {  	s13 =	ssub.s32 s10, s29;
	[sflag:s3] =	ssyncset.done $0x0  }
0x16: {  	s31 =	smax.u32 s13, $0x1;
	[sflag:s3] =	ssyncadd.s32 $0xFFFFFE00  }
0x17: {  	[tilespmem:s6], [sflag:$0x1] =	stream.indirect.gather [hbm4b:s5+s6], $0x80, s2, s6, $0xb8;
	[tilespmem:$0x10200] =	vst v63  }
0x18: {  	p0 =	sne.s32 s31, $0x1;
	_ =	swait.ge [sflag:s7], $0x10000  }
.Ltmp0:
0x19: {  	s30 =	sshll.u32 s11, $0x4;
	[sflag:s7] =	ssyncset.done $0x0;
	(pc) =	sbr.rel @!p0 .LBB2_2-.Ltmp0, $4  }
0x1a: {  	s10 =	sadd.s32 s12, s30;
	[sflag:s7] =	ssyncadd.s32 $0xFFFF0000  }
0x1b: {  	[hbm4b:s10+s2] =	stream.linear.scatter [tilespmem:s6], [sflag:$0x2], $0x10000, $0x38;
	[tilespmem:$0x10200] =	vst v63  }
0x1c: {  	_ =	swait.ge [sflag:s3], $0x10000  }
0x1d: {  	s11 =	sadd.s32 $0xFFFFFFFF, s31;
	[sflag:s3] =	ssyncset.done $0x0  }
.LBB2_1:
0x1e: {  	p0 =	sne.s32 s11, $0x1;
	s11 =	sadd.s32 $0xFFFFFFFF, s11;
	[sflag:s3] =	ssyncadd.s32 $0xFFFF0000  }
0x1f: {  	[tilespmem:s2], [sflag:$0x2] =	stream.linear.gather [hbm4b:s4+s2], $0x200, $0x38;
	[tilespmem:$0x10200] =	vst v63  }
0x20: {  	_ =	swait.ge [sflag:s3], $0x200  }
0x21: {  	[sflag:s3] =	ssyncset.done $0x0  }
0x22: {  	[sflag:s3] =	ssyncadd.s32 $0xFFFFFE00  }
0x23: {  	[tilespmem:s6], [sflag:$0x1] =	stream.indirect.gather [hbm4b:s5+s6], $0x80, s2, s6, $0xb8;
	[tilespmem:$0x10200] =	vst v63  }
0x24: {  	_ =	swait.ge [sflag:s7], $0x10000  }
0x25: {  	[sflag:s7] =	ssyncset.done $0x0  }
0x26: {  	[sflag:s7] =	ssyncadd.s32 $0xFFFF0000  }
0x27: {  	[hbm4b:s8+s2] =	stream.linear.scatter [tilespmem:s6], [sflag:$0x2], $0x10000, $0x38;
	[tilespmem:$0x10200] =	vst v63  }
0x28: {  	_ =	swait.ge [sflag:s3], $0x10000  }
0x29: {  	[sflag:s3] =	ssyncset.done $0x0  }
0x2a: {  	[sflag:s3] =	ssyncadd.s32 $0xFFFF0000  }
0x2b: {  	[tilespmem:s2], [sflag:$0x2] =	stream.linear.gather [hbm4b:s9+s2], $0x200, $0x38;
	[tilespmem:$0x10200] =	vst v63  }
0x2c: {  	_ =	swait.ge [sflag:s3], $0x200  }
0x2d: {  	[sflag:s3] =	ssyncset.done $0x0  }
0x2e: {  	[sflag:s3] =	ssyncadd.s32 $0xFFFFFE00  }
0x2f: {  	[tilespmem:s6], [sflag:$0x1] =	stream.indirect.gather [hbm4b:s5+s6], $0x80, s2, s6, $0xb8;
	[tilespmem:$0x10200] =	vst v63  }
0x30: {  	_ =	swait.ge [sflag:s7], $0x10000  }
.Ltmp1:
0x31: {  	[sflag:s7] =	ssyncset.done $0x0;
	(pc) =	sbr.rel @p0 .LBB2_1-.Ltmp1, $4  }
0x32: {  	[sflag:s7] =	ssyncadd.s32 $0xFFFF0000  }
0x33: {  	[hbm4b:s10+s2] =	stream.linear.scatter [tilespmem:s6], [sflag:$0x2], $0x10000, $0x38;
	[tilespmem:$0x10200] =	vst v63  }
0x34: {  	_ =	swait.ge [sflag:s3], $0x10000  }
0x35: {  	[sflag:s3] =	ssyncset.done $0x0  }
.LBB2_2:
0x36: {  	[sflag:s3] =	ssyncadd.s32 $0xFFFF0000  }
0x37: {  	_ =	sfence.sel $0x180000  }
0x38: {  	[bflag:$0x0] =	sbarrier.arrive $0xFFFF  }
0x39: {  	p0 =	sne.s32 s0, $0x0;
	_ =	strace $0x90000047  }
0x3a: {  	s0 =	sadd.s32 @!p0 $0x100000, s1;
	[bflag:$0x2] =	sbarrier.arrive $0xFFFF  }
0x3b: {  	[sflag:s0] =	ssyncadd.tile.s32 @!p0 $0x1;
	_ =	shalt  }
.Lfunc_end2:
_tile_overlayer_lowered:
.L_overlay_start_2:
0x3c: {  	(tag) =	ssettag $0x2  }
0x3d: {  	s0 =	rddreg [dreg:$0x0];
	s2 =	stileid.u32  }
0x3e: {  	s1 =	rddreg [dreg:$0x1];
	p0 =	sne.s32 s2, $0x0  }
0x3f: {  	s3 =	rddreg [dreg:$0x2];
	[bflag:$0x3] =	sbarrier.arrive $0xFFFF;
	s2 =	simm.s32 @!p0 $0x1C02  }
0x40: {  	[timem:s3], [sflag:s2] =	dma.local @!p0 [hbm:s0], s1  }
0x41: {  	s0 =	simm.s32 @!p0 $0x2  }
0x42: {  	_ =	swait.ge @!p0 [sflag:s0], s1  }
0x43: {  	s1 =	ssub.s32 @!p0 $0x0, s1;
	[sflag:s0] =	ssyncset.done @!p0 $0x0  }
0x44: {  	[sflag:s0] =	ssyncadd.s32 @!p0 s1  }
0x45: {  	[bflag:$0x3] =	sbarrier.arrive $0xFFFF  }
0x46: {  	_ =	shalt  }

</sc_bundles>
